<compile_context>
chip_gen: v7x
topology: tpu7x:2x2x1
jax: 0.10.2.dev20260603
libtpu: 0.0.44.dev20260713+nightly
codegen_flags: <defaults>
</compile_context>

<pallas_src>
import functools

import jax
import jax.numpy as jnp
from jax import lax
from jax.experimental import pallas as pl
from jax.experimental.pallas import tpu as pltpu
from jax.experimental.pallas import tpu_sc as plsc

_D = 128
_ND = 512
_NP = 512
_NM = 256


def _sc_gather(c_emb, p_emb, m_emb, diag_idx, proc_idx, med_idx):
    info = plsc.get_sparse_core_info()
    nc, ns = info.num_cores, info.num_subcores
    nw = nc * ns
    bd, bp, bm = _ND // nw, _NP // nw, _NM // nw

    mesh = plsc.VectorSubcoreMesh(core_axis_name="c", subcore_axis_name="s")

    @functools.partial(
        pl.kernel,
        mesh=mesh,
        out_type=jax.ShapeDtypeStruct((_ND + _NP + _NM, _D), jnp.float32),
        scratch_types=[
            pltpu.VMEM((bd,), jnp.int32),
            pltpu.VMEM((bp,), jnp.int32),
            pltpu.VMEM((bm,), jnp.int32),
            pltpu.VMEM((bd, _D), jnp.float32),
            pltpu.VMEM((bp, _D), jnp.float32),
            pltpu.VMEM((bm, _D), jnp.float32),
            pltpu.SemaphoreType.DMA,
            pltpu.SemaphoreType.DMA,
            pltpu.SemaphoreType.DMA,
        ],
    )
    def gather_kernel(c_hbm, p_hbm, m_hbm, di_hbm, pi_hbm, mi_hbm, o_hbm,
                      di_v, pi_v, mi_v, dr_v, pr_v, mr_v, s0, s1, s2):
        wid = lax.axis_index("s") * nc + lax.axis_index("c")
        i0 = pltpu.async_copy(di_hbm.at[pl.ds(wid * bd, bd)], di_v, s0)
        i1 = pltpu.async_copy(pi_hbm.at[pl.ds(wid * bp, bp)], pi_v, s1)
        i2 = pltpu.async_copy(mi_hbm.at[pl.ds(wid * bm, bm)], mi_v, s2)
        i0.wait()
        g0 = pltpu.async_copy(c_hbm.at[di_v], dr_v, s0)
        i1.wait()
        g1 = pltpu.async_copy(p_hbm.at[pi_v], pr_v, s1)
        i2.wait()
        g2 = pltpu.async_copy(m_hbm.at[mi_v], mr_v, s2)
        g0.wait()
        w0 = pltpu.async_copy(dr_v, o_hbm.at[pl.ds(wid * bd, bd)], s0)
        g1.wait()
        w1 = pltpu.async_copy(pr_v, o_hbm.at[pl.ds(_ND + wid * bp, bp)], s1)
        g2.wait()
        w2 = pltpu.async_copy(mr_v, o_hbm.at[pl.ds(_ND + _NP + wid * bm, bm)],
                              s2)
        w0.wait()
        w1.wait()
        w2.wait()

    return gather_kernel(c_emb, p_emb, m_emb, diag_idx, proc_idx, med_idx)


def _dense_body(g_ref, wc_ref, bc_ref, wg_ref, att_ref, bg_ref,
                hed_ref, hep_ref, out_ref):
    xd = g_ref[0:_ND, :]
    xp = g_ref[_ND:_ND + _NP, :]
    xm = g_ref[_ND + _NP:_ND + _NP + _NM, :]
    wc = wc_ref[...]
    bc = bc_ref[...]
    wg = wg_ref[...]
    a1 = att_ref[0:1, :]
    a2 = att_ref[1:2, :]
    bg = bg_ref[...]

    md = jnp.mean(xd, axis=0, keepdims=True) @ wc + bc
    mp = jnp.mean(xp, axis=0, keepdims=True) @ wc + bc
    mm = jnp.mean(xm, axis=0, keepdims=True) @ wc + bc

    xtm = xm @ wg
    um_row = lax.dot_general(a1, xtm, (((1,), (1,)), ((), ())))

    def dual_att(x_nodes, he_attr, n_edges):
        xt = x_nodes @ wg
        ea = he_attr @ wg
        u = lax.dot_general(xt, a1, (((1,), (1,)), ((), ())))
        v = lax.dot_general(ea, a2, (((1,), (1,)), ((), ())))

        def leaky(z):
            return jnp.where(z >= 0.0, z, 0.2 * z)

        l_self = leaky(u + v)
        logits = leaky(um_row + v)
        m = jnp.maximum(jnp.max(logits, axis=1, keepdims=True), l_self)
        e = jnp.exp(logits - m)
        e_self = jnp.exp(l_self - m)
        r = 1.0 / (jnp.sum(e, axis=1, keepdims=True) + e_self + 1e-16)
        att_m = e * r
        att_self = e_self * r

        binv = 1.0 / (_NM + 1.0)
        ef = binv * (att_self * xt + att_m @ xtm)
        out_nodes = att_self * ef + bg
        out_meds = (1.0 / n_edges) * lax.dot_general(
            att_m, ef, (((0,), (0,)), ((), ()))) + bg
        return out_nodes, out_meds

    dia_nodes, dia_meds = dual_att(xd, hed_ref[...], _ND)
    pro_nodes, pro_meds = dual_att(xp, hep_ref[...], _NP)

    out_ref[0:_ND, 0:_D] = dia_nodes
    out_ref[0:_ND, _D:2 * _D] = jnp.broadcast_to(md, (_ND, _D))
    out_ref[_ND:_ND + _NM, 0:_D] = dia_meds
    out_ref[_ND:_ND + _NM, _D:2 * _D] = jnp.broadcast_to(mm, (_NM, _D))
    r2 = _ND + _NM
    out_ref[r2:r2 + _NP, 0:_D] = pro_nodes
    out_ref[r2:r2 + _NP, _D:2 * _D] = jnp.broadcast_to(mp, (_NP, _D))
    r3 = r2 + _NP
    out_ref[r3:r3 + _NM, 0:_D] = pro_meds
    out_ref[r3:r3 + _NM, _D:2 * _D] = jnp.broadcast_to(mm, (_NM, _D))


def kernel(diag_seq, proc_seq, med_seq, c_embeddings, p_embeddings,
           m_embeddings, W_conv, b_conv, W_gat, att, b_gat,
           dia_med_hyperedge_attr, pro_med_hyperedge_attr):
    gathered = _sc_gather(
        c_embeddings, p_embeddings, m_embeddings,
        diag_seq.astype(jnp.int32), proc_seq.astype(jnp.int32),
        med_seq.astype(jnp.int32))
    n_out = _ND + _NP + 2 * _NM
    return pl.pallas_call(
        _dense_body,
        out_shape=jax.ShapeDtypeStruct((n_out, 2 * _D), jnp.float32),
    )(gathered, W_conv, b_conv.reshape(1, _D), W_gat,
      att.reshape(2, _D), b_gat.reshape(1, _D),
      dia_med_hyperedge_attr, pro_med_hyperedge_attr)

# --- scband reference (transcript-rebuilt; emitter-appended) ---
"""Pipeline reference for scband-hypergraph-enconder-40218073760225 (READ-ONLY COPY).

The authoritative reference and input builder live on the scoring server;
editing this copy changes nothing except your own understanding.
"""

import jax, jax.numpy as jnp
import numpy as np


def _seg_softmax(logits, seg, n):
    m = jax.ops.segment_max(logits, seg, num_segments=n)
    m = jnp.where(jnp.isfinite(m), m, 0.0)
    e = jnp.exp(logits - m[seg])
    s = jax.ops.segment_sum(e, seg, num_segments=n)
    return e / (s[seg] + 1e-16)


def _hconv(x, row0, row1, n_nodes, n_edges, W, b):
    # PyG HypergraphConv, heads=1, use_attention=False
    xt = x @ W
    ones = jnp.ones(row0.shape[0], jnp.float32)
    D = jax.ops.segment_sum(ones, row0, num_segments=n_nodes)
    B = jax.ops.segment_sum(ones, row1, num_segments=n_edges)
    Dinv = jnp.where(D > 0, 1.0 / D, 0.0)
    Binv = jnp.where(B > 0, 1.0 / B, 0.0)
    ef = jax.ops.segment_sum(Binv[row1][:, None] * xt[row0], row1, num_segments=n_edges)
    out = jax.ops.segment_sum(Dinv[row0][:, None] * ef[row1], row0, num_segments=n_nodes)
    return out + b


def _hconv_att(x, row0, row1, n_nodes, n_edges, W, att, b, he_attr):
    # PyG HypergraphConv, heads=1, use_attention=True, attention_mode='node'
    xt = x @ W
    ea = he_attr @ W
    alpha = jnp.sum(jnp.concatenate([xt[row0], ea[row1]], axis=-1) * att, axis=-1)
    alpha = jax.nn.leaky_relu(alpha, 0.2)
    alpha = _seg_softmax(alpha, row1, n_edges)
    ones = jnp.ones(row0.shape[0], jnp.float32)
    D = jax.ops.segment_sum(ones, row0, num_segments=n_nodes)
    B = jax.ops.segment_sum(ones, row1, num_segments=n_edges)
    Dinv = jnp.where(D > 0, 1.0 / D, 0.0)
    Binv = jnp.where(B > 0, 1.0 / B, 0.0)
    ef = jax.ops.segment_sum(alpha[:, None] * Binv[row1][:, None] * xt[row0], row1, num_segments=n_edges)
    out = jax.ops.segment_sum(alpha[:, None] * Dinv[row0][:, None] * ef[row1], row0, num_segments=n_nodes)
    return out + b


def _simple_hei(n):
    return jnp.arange(n, dtype=jnp.int32), jnp.zeros(n, dtype=jnp.int32)


def _dual_hei(nd, nm):
    blocks = np.empty((nd, nm + 1), dtype=np.int32)
    blocks[:, 0] = np.arange(nd)
    blocks[:, 1:] = nd + np.arange(nm)[None, :]
    row0 = jnp.asarray(blocks.reshape(-1))
    row1 = jnp.asarray(np.repeat(np.arange(nd, dtype=np.int32), nm + 1))
    return row0, row1


def setup_inputs(seed: int = 0):
    key = jax.random.key(seed)
    ks = jax.random.split(key, 11)
    d = 128
    diag_seq = jax.random.randint(ks[0], (512,), 0, 10000)
    proc_seq = jax.random.randint(ks[1], (512,), 0, 8000)
    med_seq = jax.random.randint(ks[2], (256,), 0, 4000)
    c_embeddings = jax.random.normal(ks[3], (10000, d), dtype=jnp.float32) * 0.1
    p_embeddings = jax.random.normal(ks[4], (8000, d), dtype=jnp.float32) * 0.1
    m_embeddings = jax.random.normal(ks[5], (4000, d), dtype=jnp.float32) * 0.1
    W_conv = jax.random.normal(ks[6], (d, d), dtype=jnp.float32) / np.sqrt(d)
    b_conv = jnp.zeros((d,), jnp.float32)
    W_gat = jax.random.normal(ks[7], (d, d), dtype=jnp.float32) / np.sqrt(d)
    att = jax.random.normal(ks[8], (2 * d,), dtype=jnp.float32) * 0.1
    b_gat = jnp.zeros((d,), jnp.float32)
    dia_med_hyperedge_attr = jax.random.normal(ks[9], (512, d), dtype=jnp.float32)
    pro_med_hyperedge_attr = jax.random.normal(ks[10], (512, d), dtype=jnp.float32)
    return {
        'diag_seq': diag_seq, 'proc_seq': proc_seq, 'med_seq': med_seq,
        'c_embeddings': c_embeddings, 'p_embeddings': p_embeddings, 'm_embeddings': m_embeddings,
        'W_conv': W_conv, 'b_conv': b_conv, 'W_gat': W_gat, 'att': att, 'b_gat': b_gat,
        'dia_med_hyperedge_attr': dia_med_hyperedge_attr, 'pro_med_hyperedge_attr': pro_med_hyperedge_attr,
    }


def reference(diag_seq, proc_seq, med_seq, c_embeddings, p_embeddings, m_embeddings,
              W_conv, b_conv, W_gat, att, b_gat, dia_med_hyperedge_attr, pro_med_hyperedge_attr):
    nd, npc, nm = diag_seq.shape[0], proc_seq.shape[0], med_seq.shape[0]
    # single-hyperedge graphs over each code sequence
    r0, r1 = _simple_hei(nd)
    dia_nf = _hconv(c_embeddings[diag_seq], r0, r1, nd, 1, W_conv, b_conv)
    r0, r1 = _simple_hei(npc)
    pro_nf = _hconv(p_embeddings[proc_seq], r0, r1, npc, 1, W_conv, b_conv)
    r0, r1 = _simple_hei(nm)
    med_nf = _hconv(m_embeddings[med_seq], r0, r1, nm, 1, W_conv, b_conv)
    # dual disease-medicine hypergraph (one hyperedge per disease covering all meds)
    dm_emb = jnp.concatenate([c_embeddings[diag_seq], m_embeddings[med_seq]], axis=0)
    r0, r1 = _dual_hei(nd, nm)
    dia_med_nf = _hconv_att(dm_emb, r0, r1, nd + nm, nd, W_gat, att, b_gat, dia_med_hyperedge_attr)
    # dual procedure-medicine hypergraph
    pm_emb = jnp.concatenate([p_embeddings[proc_seq], m_embeddings[med_seq]], axis=0)
    r0, r1 = _dual_hei(npc, nm)
    pro_med_nf = _hconv_att(pm_emb, r0, r1, npc + nm, npc, W_gat, att, b_gat, pro_med_hyperedge_attr)
    # concat_representations (8-arg call in original source)
    disease_final = jnp.concatenate([dia_med_nf[:nd], dia_nf], axis=1)
    med_final_d = jnp.concatenate([dia_med_nf[nd:], med_nf], axis=1)
    proc_final = jnp.concatenate([pro_med_nf[:npc], pro_nf], axis=1)
    med_final_p = jnp.concatenate([pro_med_nf[npc:], med_nf], axis=1)
    return jnp.concatenate([disease_final, med_final_d, proc_final, med_final_p], axis=0)

if __name__ == "__main__":
    import jax
    _d = setup_inputs()
    print(jax.jit(kernel)(*tuple(_d.values())))

</pallas_src>

<mosaic_0001>
#map = affine_map<(d0, d1) -> (0, 0)>
#map1 = affine_map<(d0, d1) -> (0)>
module attributes {stable_mosaic.version = 14 : i64} {
  func.func @gather_kernel(%arg0: i32, %arg1: i32, %arg2: memref<10000x128xf32, #tpu.memory_space<hbm>>, %arg3: memref<8000x128xf32, #tpu.memory_space<hbm>>, %arg4: memref<4000x128xf32, #tpu.memory_space<hbm>>, %arg5: memref<512xi32, #tpu.memory_space<hbm>>, %arg6: memref<512xi32, #tpu.memory_space<hbm>>, %arg7: memref<256xi32, #tpu.memory_space<hbm>>, %arg8: memref<1280x128xf32, #tpu.memory_space<hbm>>, %arg9: memref<16xi32, #tpu.memory_space<vmem>>, %arg10: memref<16xi32, #tpu.memory_space<vmem>>, %arg11: memref<8xi32, #tpu.memory_space<vmem>>, %arg12: memref<16x128xf32, #tpu.memory_space<vmem>>, %arg13: memref<16x128xf32, #tpu.memory_space<vmem>>, %arg14: memref<8x128xf32, #tpu.memory_space<vmem>>, %arg15: memref<!tpu.dma_semaphore, #tpu.memory_space<semaphore_mem>>, %arg16: memref<!tpu.dma_semaphore, #tpu.memory_space<semaphore_mem>>, %arg17: memref<!tpu.dma_semaphore, #tpu.memory_space<semaphore_mem>>) attributes {dimension_semantics = [#tpu.dimension_semantics<core_parallel>, #tpu.dimension_semantics<subcore_parallel>], iteration_bounds = array<i64: 2, 16>, scalar_prefetch = 0 : i64, scratch_operands = 9 : i64, tpu.core_type = #tpu.core_type<sc_vector_subcore>, window_params = [{transform_indices = #map}, {transform_indices = #map}, {transform_indices = #map}, {transform_indices = #map1}, {transform_indices = #map1}, {transform_indices = #map1}, {transform_indices = #map}]} {
    %mul3A = arith.constant 2 : i32
    %mul3A_0 = arith.muli %arg1, %mul3A : i32
    %add3A = arith.addi %mul3A_0, %arg0 : i32
    %mul3A_1 = arith.constant 16 : i32
    %mul3A_2 = arith.muli %add3A, %mul3A_1 : i32
    %dma_start3A = tpu.memref_slice %arg5[%mul3A_2] : memref<512xi32, #tpu.memory_space<hbm>> -> memref<16xi32, #tpu.memory_space<hbm>>
    %dma_start3A_3 = tpu.memref_slice %arg5[%mul3A_2] : memref<512xi32, #tpu.memory_space<hbm>> -> memref<16xi32, #tpu.memory_space<hbm>>
    tpu.enqueue_dma source(%dma_start3A_3 : memref<16xi32, #tpu.memory_space<hbm>>) target(%arg9 : memref<16xi32, #tpu.memory_space<vmem>>) target_semaphore(%arg15 : memref<!tpu.dma_semaphore, #tpu.memory_space<semaphore_mem>>)
    %mul3A_4 = arith.constant 16 : i32
    %mul3A_5 = arith.muli %add3A, %mul3A_4 : i32
    %dma_start3A_6 = tpu.memref_slice %arg6[%mul3A_5] : memref<512xi32, #tpu.memory_space<hbm>> -> memref<16xi32, #tpu.memory_space<hbm>>
    %dma_start3A_7 = tpu.memref_slice %arg6[%mul3A_5] : memref<512xi32, #tpu.memory_space<hbm>> -> memref<16xi32, #tpu.memory_space<hbm>>
    tpu.enqueue_dma source(%dma_start3A_7 : memref<16xi32, #tpu.memory_space<hbm>>) target(%arg10 : memref<16xi32, #tpu.memory_space<vmem>>) target_semaphore(%arg16 : memref<!tpu.dma_semaphore, #tpu.memory_space<semaphore_mem>>)
    %mul3A_8 = arith.constant 8 : i32
    %mul3A_9 = arith.muli %add3A, %mul3A_8 : i32
    %dma_start3A_10 = tpu.memref_slice %arg7[%mul3A_9] : memref<256xi32, #tpu.memory_space<hbm>> -> memref<8xi32, #tpu.memory_space<hbm>>
    %dma_start3A_11 = tpu.memref_slice %arg7[%mul3A_9] : memref<256xi32, #tpu.memory_space<hbm>> -> memref<8xi32, #tpu.memory_space<hbm>>
    tpu.enqueue_dma source(%dma_start3A_11 : memref<8xi32, #tpu.memory_space<hbm>>) target(%arg11 : memref<8xi32, #tpu.memory_space<vmem>>) target_semaphore(%arg17 : memref<!tpu.dma_semaphore, #tpu.memory_space<semaphore_mem>>)
    %dma_wait3A = tpu.memref_slice %arg5[%mul3A_2] : memref<512xi32, #tpu.memory_space<hbm>> -> memref<16xi32, #tpu.memory_space<hbm>>
    %dma_wait3A_12 = tpu.memref_slice %arg5[%mul3A_2] : memref<512xi32, #tpu.memory_space<hbm>> -> memref<16xi32, #tpu.memory_space<hbm>>
    tpu.wait_dma2 semaphore(%arg15 : memref<!tpu.dma_semaphore, #tpu.memory_space<semaphore_mem>>) src(%dma_wait3A_12 : memref<16xi32, #tpu.memory_space<hbm>>) dst(%arg9 : memref<16xi32, #tpu.memory_space<vmem>>)
    %dma_start3A_13 = arith.constant 0 : i32
    %dma_start3A_14 = arith.constant 0 : i32
    %dma_start3A_15 = tpu.memref_slice %arg2[%dma_start3A_13, %dma_start3A_14] : memref<10000x128xf32, #tpu.memory_space<hbm>> -> memref<10000x128xf32, #tpu.memory_space<hbm>>
    tpu.enqueue_indirect_dma source(%dma_start3A_15 : memref<10000x128xf32, #tpu.memory_space<hbm>>) target(%arg12 : memref<16x128xf32, #tpu.memory_space<vmem>>) offsets(%arg9 : memref<16xi32, #tpu.memory_space<vmem>>) semaphore(%arg15 : memref<!tpu.dma_semaphore, #tpu.memory_space<semaphore_mem>>)
    %dma_wait3A_16 = tpu.memref_slice %arg6[%mul3A_5] : memref<512xi32, #tpu.memory_space<hbm>> -> memref<16xi32, #tpu.memory_space<hbm>>
    %dma_wait3A_17 = tpu.memref_slice %arg6[%mul3A_5] : memref<512xi32, #tpu.memory_space<hbm>> -> memref<16xi32, #tpu.memory_space<hbm>>
    tpu.wait_dma2 semaphore(%arg16 : memref<!tpu.dma_semaphore, #tpu.memory_space<semaphore_mem>>) src(%dma_wait3A_17 : memref<16xi32, #tpu.memory_space<hbm>>) dst(%arg10 : memref<16xi32, #tpu.memory_space<vmem>>)
    %dma_start3A_18 = arith.constant 0 : i32
    %dma_start3A_19 = arith.constant 0 : i32
    %dma_start3A_20 = tpu.memref_slice %arg3[%dma_start3A_18, %dma_start3A_19] : memref<8000x128xf32, #tpu.memory_space<hbm>> -> memref<8000x128xf32, #tpu.memory_space<hbm>>
    tpu.enqueue_indirect_dma source(%dma_start3A_20 : memref<8000x128xf32, #tpu.memory_space<hbm>>) target(%arg13 : memref<16x128xf32, #tpu.memory_space<vmem>>) offsets(%arg10 : memref<16xi32, #tpu.memory_space<vmem>>) semaphore(%arg16 : memref<!tpu.dma_semaphore, #tpu.memory_space<semaphore_mem>>)
    %dma_wait3A_21 = tpu.memref_slice %arg7[%mul3A_9] : memref<256xi32, #tpu.memory_space<hbm>> -> memref<8xi32, #tpu.memory_space<hbm>>
    %dma_wait3A_22 = tpu.memref_slice %arg7[%mul3A_9] : memref<256xi32, #tpu.memory_space<hbm>> -> memref<8xi32, #tpu.memory_space<hbm>>
    tpu.wait_dma2 semaphore(%arg17 : memref<!tpu.dma_semaphore, #tpu.memory_space<semaphore_mem>>) src(%dma_wait3A_22 : memref<8xi32, #tpu.memory_space<hbm>>) dst(%arg11 : memref<8xi32, #tpu.memory_space<vmem>>)
    %dma_start3A_23 = arith.constant 0 : i32
    %dma_start3A_24 = arith.constant 0 : i32
    %dma_start3A_25 = tpu.memref_slice %arg4[%dma_start3A_23, %dma_start3A_24] : memref<4000x128xf32, #tpu.memory_space<hbm>> -> memref<4000x128xf32, #tpu.memory_space<hbm>>
    tpu.enqueue_indirect_dma source(%dma_start3A_25 : memref<4000x128xf32, #tpu.memory_space<hbm>>) target(%arg14 : memref<8x128xf32, #tpu.memory_space<vmem>>) offsets(%arg11 : memref<8xi32, #tpu.memory_space<vmem>>) semaphore(%arg17 : memref<!tpu.dma_semaphore, #tpu.memory_space<semaphore_mem>>)
    %dma_wait3A_26 = arith.constant 0 : i32
    %dma_wait3A_27 = arith.constant 0 : i32
    %dma_wait3A_28 = tpu.memref_slice %arg2[%dma_wait3A_26, %dma_wait3A_27] : memref<10000x128xf32, #tpu.memory_space<hbm>> -> memref<10000x128xf32, #tpu.memory_space<hbm>>
    tpu.wait_indirect_dma semaphore(%arg15 : memref<!tpu.dma_semaphore, #tpu.memory_space<semaphore_mem>>) src(%dma_wait3A_28 : memref<10000x128xf32, #tpu.memory_space<hbm>>) dst(%arg12 : memref<16x128xf32, #tpu.memory_space<vmem>>)
    %mul3A_29 = arith.constant 16 : i32
    %mul3A_30 = arith.muli %add3A, %mul3A_29 : i32
    %dma_start3A_31 = arith.constant 0 : i32
    %dma_start3A_32 = tpu.memref_slice %arg8[%mul3A_30, %dma_start3A_31] : memref<1280x128xf32, #tpu.memory_space<hbm>> -> memref<16x128xf32, #tpu.memory_space<hbm>>
    %dma_start3A_33 = arith.constant 0 : i32
    %dma_start3A_34 = tpu.memref_slice %arg8[%mul3A_30, %dma_start3A_33] : memref<1280x128xf32, #tpu.memory_space<hbm>> -> memref<16x128xf32, #tpu.memory_space<hbm>>
    tpu.enqueue_dma source(%arg12 : memref<16x128xf32, #tpu.memory_space<vmem>>) target(%dma_start3A_34 : memref<16x128xf32, #tpu.memory_space<hbm>>) target_semaphore(%arg15 : memref<!tpu.dma_semaphore, #tpu.memory_space<semaphore_mem>>)
    %dma_wait3A_35 = arith.constant 0 : i32
    %dma_wait3A_36 = arith.constant 0 : i32
    %dma_wait3A_37 = tpu.memref_slice %arg3[%dma_wait3A_35, %dma_wait3A_36] : memref<8000x128xf32, #tpu.memory_space<hbm>> -> memref<8000x128xf32, #tpu.memory_space<hbm>>
    tpu.wait_indirect_dma semaphore(%arg16 : memref<!tpu.dma_semaphore, #tpu.memory_space<semaphore_mem>>) src(%dma_wait3A_37 : memref<8000x128xf32, #tpu.memory_space<hbm>>) dst(%arg13 : memref<16x128xf32, #tpu.memory_space<vmem>>)
    %mul3A_38 = arith.constant 16 : i32
    %mul3A_39 = arith.muli %add3A, %mul3A_38 : i32
    %add3A_40 = arith.constant 512 : i32
    %add3A_41 = arith.addi %add3A_40, %mul3A_39 : i32
    %dma_start3A_42 = arith.constant 0 : i32
    %dma_start3A_43 = tpu.memref_slice %arg8[%add3A_41, %dma_start3A_42] : memref<1280x128xf32, #tpu.memory_space<hbm>> -> memref<16x128xf32, #tpu.memory_space<hbm>>
    %dma_start3A_44 = arith.constant 0 : i32
    %dma_start3A_45 = tpu.memref_slice %arg8[%add3A_41, %dma_start3A_44] : memref<1280x128xf32, #tpu.memory_space<hbm>> -> memref<16x128xf32, #tpu.memory_space<hbm>>
    tpu.enqueue_dma source(%arg13 : memref<16x128xf32, #tpu.memory_space<vmem>>) target(%dma_start3A_45 : memref<16x128xf32, #tpu.memory_space<hbm>>) target_semaphore(%arg16 : memref<!tpu.dma_semaphore, #tpu.memory_space<semaphore_mem>>)
    %dma_wait3A_46 = arith.constant 0 : i32
    %dma_wait3A_47 = arith.constant 0 : i32
    %dma_wait3A_48 = tpu.memref_slice %arg4[%dma_wait3A_46, %dma_wait3A_47] : memref<4000x128xf32, #tpu.memory_space<hbm>> -> memref<4000x128xf32, #tpu.memory_space<hbm>>
    tpu.wait_indirect_dma semaphore(%arg17 : memref<!tpu.dma_semaphore, #tpu.memory_space<semaphore_mem>>) src(%dma_wait3A_48 : memref<4000x128xf32, #tpu.memory_space<hbm>>) dst(%arg14 : memref<8x128xf32, #tpu.memory_space<vmem>>)
    %mul3A_49 = arith.constant 8 : i32
    %mul3A_50 = arith.muli %add3A, %mul3A_49 : i32
    %add3A_51 = arith.constant 1024 : i32
    %add3A_52 = arith.addi %add3A_51, %mul3A_50 : i32
    %dma_start3A_53 = arith.constant 0 : i32
    %dma_start3A_54 = tpu.memref_slice %arg8[%add3A_52, %dma_start3A_53] : memref<1280x128xf32, #tpu.memory_space<hbm>> -> memref<8x128xf32, #tpu.memory_space<hbm>>
    %dma_start3A_55 = arith.constant 0 : i32
    %dma_start3A_56 = tpu.memref_slice %arg8[%add3A_52, %dma_start3A_55] : memref<1280x128xf32, #tpu.memory_space<hbm>> -> memref<8x128xf32, #tpu.memory_space<hbm>>
    tpu.enqueue_dma source(%arg14 : memref<8x128xf32, #tpu.memory_space<vmem>>) target(%dma_start3A_56 : memref<8x128xf32, #tpu.memory_space<hbm>>) target_semaphore(%arg17 : memref<!tpu.dma_semaphore, #tpu.memory_space<semaphore_mem>>)
    %dma_wait3A_57 = arith.constant 0 : i32
    %dma_wait3A_58 = tpu.memref_slice %arg8[%mul3A_30, %dma_wait3A_57] : memref<1280x128xf32, #tpu.memory_space<hbm>> -> memref<16x128xf32, #tpu.memory_space<hbm>>
    %dma_wait3A_59 = arith.constant 0 : i32
    %dma_wait3A_60 = tpu.memref_slice %arg8[%mul3A_30, %dma_wait3A_59] : memref<1280x128xf32, #tpu.memory_space<hbm>> -> memref<16x128xf32, #tpu.memory_space<hbm>>
    tpu.wait_dma2 semaphore(%arg15 : memref<!tpu.dma_semaphore, #tpu.memory_space<semaphore_mem>>) src(%arg12 : memref<16x128xf32, #tpu.memory_space<vmem>>) dst(%dma_wait3A_60 : memref<16x128xf32, #tpu.memory_space<hbm>>)
    %dma_wait3A_61 = arith.constant 0 : i32
    %dma_wait3A_62 = tpu.memref_slice %arg8[%add3A_41, %dma_wait3A_61] : memref<1280x128xf32, #tpu.memory_space<hbm>> -> memref<16x128xf32, #tpu.memory_space<hbm>>
    %dma_wait3A_63 = arith.constant 0 : i32
    %dma_wait3A_64 = tpu.memref_slice %arg8[%add3A_41, %dma_wait3A_63] : memref<1280x128xf32, #tpu.memory_space<hbm>> -> memref<16x128xf32, #tpu.memory_space<hbm>>
    tpu.wait_dma2 semaphore(%arg16 : memref<!tpu.dma_semaphore, #tpu.memory_space<semaphore_mem>>) src(%arg13 : memref<16x128xf32, #tpu.memory_space<vmem>>) dst(%dma_wait3A_64 : memref<16x128xf32, #tpu.memory_space<hbm>>)
    %dma_wait3A_65 = arith.constant 0 : i32
    %dma_wait3A_66 = tpu.memref_slice %arg8[%add3A_52, %dma_wait3A_65] : memref<1280x128xf32, #tpu.memory_space<hbm>> -> memref<8x128xf32, #tpu.memory_space<hbm>>
    %dma_wait3A_67 = arith.constant 0 : i32
    %dma_wait3A_68 = tpu.memref_slice %arg8[%add3A_52, %dma_wait3A_67] : memref<1280x128xf32, #tpu.memory_space<hbm>> -> memref<8x128xf32, #tpu.memory_space<hbm>>
    tpu.wait_dma2 semaphore(%arg17 : memref<!tpu.dma_semaphore, #tpu.memory_space<semaphore_mem>>) src(%arg14 : memref<8x128xf32, #tpu.memory_space<vmem>>) dst(%dma_wait3A_68 : memref<8x128xf32, #tpu.memory_space<hbm>>)
    return
  }
}

module attributes {stable_mosaic.version = 14 : i64} {
  func.func @_dense_body(%arg0: memref<1280x128xf32, #tpu.memory_space<vmem>>, %arg1: memref<128x128xf32, #tpu.memory_space<vmem>>, %arg2: memref<1x128xf32, #tpu.memory_space<vmem>>, %arg3: memref<128x128xf32, #tpu.memory_space<vmem>>, %arg4: memref<2x128xf32, #tpu.memory_space<vmem>>, %arg5: memref<1x128xf32, #tpu.memory_space<vmem>>, %arg6: memref<512x128xf32, #tpu.memory_space<vmem>>, %arg7: memref<512x128xf32, #tpu.memory_space<vmem>>, %arg8: memref<1536x256xf32, #tpu.memory_space<vmem>>) attributes {dimension_semantics = [], scalar_prefetch = 0 : i64, scratch_operands = 0 : i64, tpu.core_type = #tpu.core_type<tc>} {
    %get3A = arith.constant 0 : index
    %get3A_0 = arith.constant 0 : index
    %get3A_1 = vector.load %arg0[%get3A, %get3A_0] : memref<1280x128xf32, #tpu.memory_space<vmem>>, vector<512x128xf32>
    %get3A_2 = arith.constant 512 : index
    %get3A_3 = arith.constant 0 : index
    %get3A_4 = vector.load %arg0[%get3A_2, %get3A_3] : memref<1280x128xf32, #tpu.memory_space<vmem>>, vector<512x128xf32>
    %get3A_5 = arith.constant 1024 : index
    %get3A_6 = arith.constant 0 : index
    %get3A_7 = vector.load %arg0[%get3A_5, %get3A_6] : memref<1280x128xf32, #tpu.memory_space<vmem>>, vector<256x128xf32>
    %get3A_8 = arith.constant 0 : index
    %get3A_9 = arith.constant 0 : index
    %get3A_10 = vector.load %arg1[%get3A_8, %get3A_9] : memref<128x128xf32, #tpu.memory_space<vmem>>, vector<128x128xf32>
    %get3A_11 = arith.constant 0 : index
    %get3A_12 = arith.constant 0 : index
    %get3A_13 = vector.load %arg2[%get3A_11, %get3A_12] : memref<1x128xf32, #tpu.memory_space<vmem>>, vector<1x128xf32>
    %get3A_14 = arith.constant 0 : index
    %get3A_15 = arith.constant 0 : index
    %get3A_16 = vector.load %arg3[%get3A_14, %get3A_15] : memref<128x128xf32, #tpu.memory_space<vmem>>, vector<128x128xf32>
    %get3A_17 = arith.constant 0 : index
    %get3A_18 = arith.constant 0 : index
    %get3A_19 = vector.load %arg4[%get3A_17, %get3A_18] : memref<2x128xf32, #tpu.memory_space<vmem>>, vector<1x128xf32>
    %get3A_20 = arith.constant 1 : index
    %get3A_21 = arith.constant 0 : index
    %get3A_22 = vector.load %arg4[%get3A_20, %get3A_21] : memref<2x128xf32, #tpu.memory_space<vmem>>, vector<1x128xf32>
    %get3A_23 = arith.constant 0 : index
    %get3A_24 = arith.constant 0 : index
    %get3A_25 = vector.load %arg5[%get3A_23, %get3A_24] : memref<1x128xf32, #tpu.memory_space<vmem>>, vector<1x128xf32>
    %reduce_sum3A = arith.constant dense<0.000000e+00> : vector<128xf32>
    %reduce_sum3A_26 = vector.multi_reduction <add>, %get3A_1, %reduce_sum3A [0] : vector<512x128xf32> to vector<128xf32>
    %broadcast_in_dim3A = vector.shape_cast %reduce_sum3A_26 : vector<128xf32> to vector<1x128xf32>
    %div3A = arith.constant 5.120000e+02 : f32
    %div3A_27 = vector.broadcast %div3A : f32 to vector<1x128xf32>
    %div3A_28 = arith.divf %broadcast_in_dim3A, %div3A_27 : vector<1x128xf32>
    %dot_general3A = arith.constant dense<0.000000e+00> : vector<1x128xf32>
    %dot_general3A_29 = tpu.matmul %div3A_28, %get3A_10, %dot_general3A {dimension_numbers = #tpu.dot_dimension_numbers<[1], [0], [0], [1], [0, 0, 1, 1], [], []>, transpose_lhs_hint = false} : vector<1x128xf32>, vector<128x128xf32>, vector<1x128xf32> -> vector<1x128xf32>
    %add3A = arith.addf %dot_general3A_29, %get3A_13 : vector<1x128xf32>
    %reduce_sum3A_30 = arith.constant dense<0.000000e+00> : vector<128xf32>
    %reduce_sum3A_31 = vector.multi_reduction <add>, %get3A_4, %reduce_sum3A_30 [0] : vector<512x128xf32> to vector<128xf32>
    %broadcast_in_dim3A_32 = vector.shape_cast %reduce_sum3A_31 : vector<128xf32> to vector<1x128xf32>
    %div3A_33 = arith.constant 5.120000e+02 : f32
    %div3A_34 = vector.broadcast %div3A_33 : f32 to vector<1x128xf32>
    %div3A_35 = arith.divf %broadcast_in_dim3A_32, %div3A_34 : vector<1x128xf32>
    %dot_general3A_36 = arith.constant dense<0.000000e+00> : vector<1x128xf32>
    %dot_general3A_37 = tpu.matmul %div3A_35, %get3A_10, %dot_general3A_36 {dimension_numbers = #tpu.dot_dimension_numbers<[1], [0], [0], [1], [0, 0, 1, 1], [], []>, transpose_lhs_hint = false} : vector<1x128xf32>, vector<128x128xf32>, vector<1x128xf32> -> vector<1x128xf32>
    %add3A_38 = arith.addf %dot_general3A_37, %get3A_13 : vector<1x128xf32>
    %reduce_sum3A_39 = arith.constant dense<0.000000e+00> : vector<128xf32>
    %reduce_sum3A_40 = vector.multi_reduction <add>, %get3A_7, %reduce_sum3A_39 [0] : vector<256x128xf32> to vector<128xf32>
    %broadcast_in_dim3A_41 = vector.shape_cast %reduce_sum3A_40 : vector<128xf32> to vector<1x128xf32>
    %div3A_42 = arith.constant 2.560000e+02 : f32
    %div3A_43 = vector.broadcast %div3A_42 : f32 to vector<1x128xf32>
    %div3A_44 = arith.divf %broadcast_in_dim3A_41, %div3A_43 : vector<1x128xf32>
    %dot_general3A_45 = arith.constant dense<0.000000e+00> : vector<1x128xf32>
    %dot_general3A_46 = tpu.matmul %div3A_44, %get3A_10, %dot_general3A_45 {dimension_numbers = #tpu.dot_dimension_numbers<[1], [0], [0], [1], [0, 0, 1, 1], [], []>, transpose_lhs_hint = false} : vector<1x128xf32>, vector<128x128xf32>, vector<1x128xf32> -> vector<1x128xf32>
    %add3A_47 = arith.addf %dot_general3A_46, %get3A_13 : vector<1x128xf32>
    %dot_general3A_48 = arith.constant dense<0.000000e+00> : vector<256x128xf32>
    %dot_general3A_49 = tpu.matmul %get3A_7, %get3A_16, %dot_general3A_48 {dimension_numbers = #tpu.dot_dimension_numbers<[1], [0], [0], [1], [0, 0, 1, 1], [], []>, transpose_lhs_hint = false} : vector<256x128xf32>, vector<128x128xf32>, vector<256x128xf32> -> vector<256x128xf32>
    %dot_general3A_50 = arith.constant dense<0.000000e+00> : vector<1x256xf32>
    %dot_general3A_51 = tpu.matmul %get3A_19, %dot_general3A_49, %dot_general3A_50 {dimension_numbers = #tpu.dot_dimension_numbers<[1], [1], [0], [0], [0, 0, 1, 0], [], []>, transpose_lhs_hint = false} : vector<1x128xf32>, vector<256x128xf32>, vector<1x256xf32> -> vector<1x256xf32>
    %get3A_52 = arith.constant 0 : index
    %get3A_53 = arith.constant 0 : index
    %get3A_54 = vector.load %arg6[%get3A_52, %get3A_53] : memref<512x128xf32, #tpu.memory_space<vmem>>, vector<512x128xf32>
    %dot_general3A_55 = arith.constant dense<0.000000e+00> : vector<512x128xf32>
    %dot_general3A_56 = tpu.matmul %get3A_1, %get3A_16, %dot_general3A_55 {dimension_numbers = #tpu.dot_dimension_numbers<[1], [0], [0], [1], [0, 0, 1, 1], [], []>, transpose_lhs_hint = false} : vector<512x128xf32>, vector<128x128xf32>, vector<512x128xf32> -> vector<512x128xf32>
    %dot_general3A_57 = arith.constant dense<0.000000e+00> : vector<512x128xf32>
    %dot_general3A_58 = tpu.matmul %get3A_54, %get3A_16, %dot_general3A_57 {dimension_numbers = #tpu.dot_dimension_numbers<[1], [0], [0], [1], [0, 0, 1, 1], [], []>, transpose_lhs_hint = false} : vector<512x128xf32>, vector<128x128xf32>, vector<512x128xf32> -> vector<512x128xf32>
    %dot_general3A_59 = arith.constant dense<0.000000e+00> : vector<512x1xf32>
    %dot_general3A_60 = tpu.matmul %dot_general3A_56, %get3A_19, %dot_general3A_59 {dimension_numbers = #tpu.dot_dimension_numbers<[1], [1], [0], [0], [0, 0, 1, 0], [], []>, transpose_lhs_hint = false} : vector<512x128xf32>, vector<1x128xf32>, vector<512x1xf32> -> vector<512x1xf32>
    %dot_general3A_61 = arith.constant dense<0.000000e+00> : vector<512x1xf32>
    %dot_general3A_62 = tpu.matmul %dot_general3A_58, %get3A_22, %dot_general3A_61 {dimension_numbers = #tpu.dot_dimension_numbers<[1], [1], [0], [0], [0, 0, 1, 0], [], []>, transpose_lhs_hint = false} : vector<512x128xf32>, vector<1x128xf32>, vector<512x1xf32> -> vector<512x1xf32>
    %add3A_63 = arith.addf %dot_general3A_60, %dot_general3A_62 : vector<512x1xf32>
    %ge3A = arith.constant 0.000000e+00 : f32
    %ge3A_64 = vector.broadcast %ge3A : f32 to vector<512x1xf32>
    %ge3A_65 = arith.cmpf oge, %add3A_63, %ge3A_64 : vector<512x1xf32>
    %mul3A = arith.constant 2.000000e-01 : f32
    %mul3A_66 = vector.broadcast %mul3A : f32 to vector<512x1xf32>
    %mul3A_67 = arith.mulf %mul3A_66, %add3A_63 : vector<512x1xf32>
    %select_n3A = arith.select %ge3A_65, %add3A_63, %mul3A_67 : vector<512x1xi1>, vector<512x1xf32>
    %add3A_68 = vector.broadcast %dot_general3A_51 : vector<1x256xf32> to vector<512x256xf32>
    %add3A_69 = vector.broadcast %dot_general3A_62 : vector<512x1xf32> to vector<512x256xf32>
    %add3A_70 = arith.addf %add3A_68, %add3A_69 : vector<512x256xf32>
    %ge3A_71 = arith.constant 0.000000e+00 : f32
    %ge3A_72 = vector.broadcast %ge3A_71 : f32 to vector<512x256xf32>
    %ge3A_73 = arith.cmpf oge, %add3A_70, %ge3A_72 : vector<512x256xf32>
    %mul3A_74 = arith.constant 2.000000e-01 : f32
    %mul3A_75 = vector.broadcast %mul3A_74 : f32 to vector<512x256xf32>
    %mul3A_76 = arith.mulf %mul3A_75, %add3A_70 : vector<512x256xf32>
    %select_n3A_77 = arith.select %ge3A_73, %add3A_70, %mul3A_76 : vector<512x256xi1>, vector<512x256xf32>
    %reduce_max3A = arith.constant dense<0xFF800000> : vector<512xf32>
    %reduce_max3A_78 = vector.multi_reduction <maximumf>, %select_n3A_77, %reduce_max3A [1] : vector<512x256xf32> to vector<512xf32>
    %broadcast_in_dim3A_79 = vector.shape_cast %reduce_max3A_78 : vector<512xf32> to vector<512x1xf32>
    %max3A = arith.maximumf %broadcast_in_dim3A_79, %select_n3A : vector<512x1xf32>
    %sub3A = vector.broadcast %max3A : vector<512x1xf32> to vector<512x256xf32>
    %sub3A_80 = arith.subf %select_n3A_77, %sub3A : vector<512x256xf32>
    %exp3A = math.exp %sub3A_80 : vector<512x256xf32>
    %sub3A_81 = arith.subf %select_n3A, %max3A : vector<512x1xf32>
    %exp3A_82 = math.exp %sub3A_81 : vector<512x1xf32>
    %reduce_sum3A_83 = arith.constant dense<0.000000e+00> : vector<512xf32>
    %reduce_sum3A_84 = vector.multi_reduction <add>, %exp3A, %reduce_sum3A_83 [1] : vector<512x256xf32> to vector<512xf32>
    %broadcast_in_dim3A_85 = vector.shape_cast %reduce_sum3A_84 : vector<512xf32> to vector<512x1xf32>
    %add3A_86 = arith.addf %broadcast_in_dim3A_85, %exp3A_82 : vector<512x1xf32>
    %add3A_87 = arith.constant 1.000000e-16 : f32
    %add3A_88 = vector.broadcast %add3A_87 : f32 to vector<512x1xf32>
    %add3A_89 = arith.addf %add3A_86, %add3A_88 : vector<512x1xf32>
    %div3A_90 = arith.constant 1.000000e+00 : f32
    %div3A_91 = vector.broadcast %div3A_90 : f32 to vector<512x1xf32>
    %div3A_92 = arith.divf %div3A_91, %add3A_89 : vector<512x1xf32>
    %mul3A_93 = vector.broadcast %div3A_92 : vector<512x1xf32> to vector<512x256xf32>
    %mul3A_94 = arith.mulf %exp3A, %mul3A_93 : vector<512x256xf32>
    %mul3A_95 = arith.mulf %exp3A_82, %div3A_92 : vector<512x1xf32>
    %mul3A_96 = vector.broadcast %mul3A_95 : vector<512x1xf32> to vector<512x128xf32>
    %mul3A_97 = arith.mulf %mul3A_96, %dot_general3A_56 : vector<512x128xf32>
    %dot_general3A_98 = arith.constant dense<0.000000e+00> : vector<512x128xf32>
    %dot_general3A_99 = tpu.matmul %mul3A_94, %dot_general3A_49, %dot_general3A_98 {dimension_numbers = #tpu.dot_dimension_numbers<[1], [0], [0], [1], [0, 0, 1, 1], [], []>, transpose_lhs_hint = false} : vector<512x256xf32>, vector<256x128xf32>, vector<512x128xf32> -> vector<512x128xf32>
    %add3A_100 = arith.addf %mul3A_97, %dot_general3A_99 : vector<512x128xf32>
    %mul3A_101 = arith.constant 0.00389105058 : f32
    %mul3A_102 = vector.broadcast %mul3A_101 : f32 to vector<512x128xf32>
    %mul3A_103 = arith.mulf %mul3A_102, %add3A_100 : vector<512x128xf32>
    %mul3A_104 = vector.broadcast %mul3A_95 : vector<512x1xf32> to vector<512x128xf32>
    %mul3A_105 = arith.mulf %mul3A_104, %mul3A_103 : vector<512x128xf32>
    %add3A_106 = vector.broadcast %get3A_25 : vector<1x128xf32> to vector<512x128xf32>
    %add3A_107 = arith.addf %mul3A_105, %add3A_106 : vector<512x128xf32>
    %dot_general3A_108 = arith.constant dense<0.000000e+00> : vector<256x128xf32>
    %dot_general3A_109 = tpu.matmul %mul3A_94, %mul3A_103, %dot_general3A_108 {dimension_numbers = #tpu.dot_dimension_numbers<[0], [0], [1], [1], [0, 1, 1, 1], [], []>, transpose_lhs_hint = false} : vector<512x256xf32>, vector<512x128xf32>, vector<256x128xf32> -> vector<256x128xf32>
    %mul3A_110 = arith.constant 0.001953125 : f32
    %mul3A_111 = vector.broadcast %mul3A_110 : f32 to vector<256x128xf32>
    %mul3A_112 = arith.mulf %mul3A_111, %dot_general3A_109 : vector<256x128xf32>
    %add3A_113 = vector.broadcast %get3A_25 : vector<1x128xf32> to vector<256x128xf32>
    %add3A_114 = arith.addf %mul3A_112, %add3A_113 : vector<256x128xf32>
    %get3A_115 = arith.constant 0 : index
    %get3A_116 = arith.constant 0 : index
    %get3A_117 = vector.load %arg7[%get3A_115, %get3A_116] : memref<512x128xf32, #tpu.memory_space<vmem>>, vector<512x128xf32>
    %dot_general3A_118 = arith.constant dense<0.000000e+00> : vector<512x128xf32>
    %dot_general3A_119 = tpu.matmul %get3A_4, %get3A_16, %dot_general3A_118 {dimension_numbers = #tpu.dot_dimension_numbers<[1], [0], [0], [1], [0, 0, 1, 1], [], []>, transpose_lhs_hint = false} : vector<512x128xf32>, vector<128x128xf32>, vector<512x128xf32> -> vector<512x128xf32>
    %dot_general3A_120 = arith.constant dense<0.000000e+00> : vector<512x128xf32>
    %dot_general3A_121 = tpu.matmul %get3A_117, %get3A_16, %dot_general3A_120 {dimension_numbers = #tpu.dot_dimension_numbers<[1], [0], [0], [1], [0, 0, 1, 1], [], []>, transpose_lhs_hint = false} : vector<512x128xf32>, vector<128x128xf32>, vector<512x128xf32> -> vector<512x128xf32>
    %dot_general3A_122 = arith.constant dense<0.000000e+00> : vector<512x1xf32>
    %dot_general3A_123 = tpu.matmul %dot_general3A_119, %get3A_19, %dot_general3A_122 {dimension_numbers = #tpu.dot_dimension_numbers<[1], [1], [0], [0], [0, 0, 1, 0], [], []>, transpose_lhs_hint = false} : vector<512x128xf32>, vector<1x128xf32>, vector<512x1xf32> -> vector<512x1xf32>
    %dot_general3A_124 = arith.constant dense<0.000000e+00> : vector<512x1xf32>
    %dot_general3A_125 = tpu.matmul %dot_general3A_121, %get3A_22, %dot_general3A_124 {dimension_numbers = #tpu.dot_dimension_numbers<[1], [1], [0], [0], [0, 0, 1, 0], [], []>, transpose_lhs_hint = false} : vector<512x128xf32>, vector<1x128xf32>, vector<512x1xf32> -> vector<512x1xf32>
    %add3A_126 = arith.addf %dot_general3A_123, %dot_general3A_125 : vector<512x1xf32>
    %ge3A_127 = arith.constant 0.000000e+00 : f32
    %ge3A_128 = vector.broadcast %ge3A_127 : f32 to vector<512x1xf32>
    %ge3A_129 = arith.cmpf oge, %add3A_126, %ge3A_128 : vector<512x1xf32>
    %mul3A_130 = arith.constant 2.000000e-01 : f32
    %mul3A_131 = vector.broadcast %mul3A_130 : f32 to vector<512x1xf32>
    %mul3A_132 = arith.mulf %mul3A_131, %add3A_126 : vector<512x1xf32>
    %select_n3A_133 = arith.select %ge3A_129, %add3A_126, %mul3A_132 : vector<512x1xi1>, vector<512x1xf32>
    %add3A_134 = vector.broadcast %dot_general3A_51 : vector<1x256xf32> to vector<512x256xf32>
    %add3A_135 = vector.broadcast %dot_general3A_125 : vector<512x1xf32> to vector<512x256xf32>
    %add3A_136 = arith.addf %add3A_134, %add3A_135 : vector<512x256xf32>
    %ge3A_137 = arith.constant 0.000000e+00 : f32
    %ge3A_138 = vector.broadcast %ge3A_137 : f32 to vector<512x256xf32>
    %ge3A_139 = arith.cmpf oge, %add3A_136, %ge3A_138 : vector<512x256xf32>
    %mul3A_140 = arith.constant 2.000000e-01 : f32
    %mul3A_141 = vector.broadcast %mul3A_140 : f32 to vector<512x256xf32>
    %mul3A_142 = arith.mulf %mul3A_141, %add3A_136 : vector<512x256xf32>
    %select_n3A_143 = arith.select %ge3A_139, %add3A_136, %mul3A_142 : vector<512x256xi1>, vector<512x256xf32>
    %reduce_max3A_144 = arith.constant dense<0xFF800000> : vector<512xf32>
    %reduce_max3A_145 = vector.multi_reduction <maximumf>, %select_n3A_143, %reduce_max3A_144 [1] : vector<512x256xf32> to vector<512xf32>
    %broadcast_in_dim3A_146 = vector.shape_cast %reduce_max3A_145 : vector<512xf32> to vector<512x1xf32>
    %max3A_147 = arith.maximumf %broadcast_in_dim3A_146, %select_n3A_133 : vector<512x1xf32>
    %sub3A_148 = vector.broadcast %max3A_147 : vector<512x1xf32> to vector<512x256xf32>
    %sub3A_149 = arith.subf %select_n3A_143, %sub3A_148 : vector<512x256xf32>
    %exp3A_150 = math.exp %sub3A_149 : vector<512x256xf32>
    %sub3A_151 = arith.subf %select_n3A_133, %max3A_147 : vector<512x1xf32>
    %exp3A_152 = math.exp %sub3A_151 : vector<512x1xf32>
    %reduce_sum3A_153 = arith.constant dense<0.000000e+00> : vector<512xf32>
    %reduce_sum3A_154 = vector.multi_reduction <add>, %exp3A_150, %reduce_sum3A_153 [1] : vector<512x256xf32> to vector<512xf32>
    %broadcast_in_dim3A_155 = vector.shape_cast %reduce_sum3A_154 : vector<512xf32> to vector<512x1xf32>
    %add3A_156 = arith.addf %broadcast_in_dim3A_155, %exp3A_152 : vector<512x1xf32>
    %add3A_157 = arith.constant 1.000000e-16 : f32
    %add3A_158 = vector.broadcast %add3A_157 : f32 to vector<512x1xf32>
    %add3A_159 = arith.addf %add3A_156, %add3A_158 : vector<512x1xf32>
    %div3A_160 = arith.constant 1.000000e+00 : f32
    %div3A_161 = vector.broadcast %div3A_160 : f32 to vector<512x1xf32>
    %div3A_162 = arith.divf %div3A_161, %add3A_159 : vector<512x1xf32>
    %mul3A_163 = vector.broadcast %div3A_162 : vector<512x1xf32> to vector<512x256xf32>
    %mul3A_164 = arith.mulf %exp3A_150, %mul3A_163 : vector<512x256xf32>
    %mul3A_165 = arith.mulf %exp3A_152, %div3A_162 : vector<512x1xf32>
    %mul3A_166 = vector.broadcast %mul3A_165 : vector<512x1xf32> to vector<512x128xf32>
    %mul3A_167 = arith.mulf %mul3A_166, %dot_general3A_119 : vector<512x128xf32>
    %dot_general3A_168 = arith.constant dense<0.000000e+00> : vector<512x128xf32>
    %dot_general3A_169 = tpu.matmul %mul3A_164, %dot_general3A_49, %dot_general3A_168 {dimension_numbers = #tpu.dot_dimension_numbers<[1], [0], [0], [1], [0, 0, 1, 1], [], []>, transpose_lhs_hint = false} : vector<512x256xf32>, vector<256x128xf32>, vector<512x128xf32> -> vector<512x128xf32>
    %add3A_170 = arith.addf %mul3A_167, %dot_general3A_169 : vector<512x128xf32>
    %mul3A_171 = arith.constant 0.00389105058 : f32
    %mul3A_172 = vector.broadcast %mul3A_171 : f32 to vector<512x128xf32>
    %mul3A_173 = arith.mulf %mul3A_172, %add3A_170 : vector<512x128xf32>
    %mul3A_174 = vector.broadcast %mul3A_165 : vector<512x1xf32> to vector<512x128xf32>
    %mul3A_175 = arith.mulf %mul3A_174, %mul3A_173 : vector<512x128xf32>
    %add3A_176 = vector.broadcast %get3A_25 : vector<1x128xf32> to vector<512x128xf32>
    %add3A_177 = arith.addf %mul3A_175, %add3A_176 : vector<512x128xf32>
    %dot_general3A_178 = arith.constant dense<0.000000e+00> : vector<256x128xf32>
    %dot_general3A_179 = tpu.matmul %mul3A_164, %mul3A_173, %dot_general3A_178 {dimension_numbers = #tpu.dot_dimension_numbers<[0], [0], [1], [1], [0, 1, 1, 1], [], []>, transpose_lhs_hint = false} : vector<512x256xf32>, vector<512x128xf32>, vector<256x128xf32> -> vector<256x128xf32>
    %mul3A_180 = arith.constant 0.001953125 : f32
    %mul3A_181 = vector.broadcast %mul3A_180 : f32 to vector<256x128xf32>
    %mul3A_182 = arith.mulf %mul3A_181, %dot_general3A_179 : vector<256x128xf32>
    %add3A_183 = vector.broadcast %get3A_25 : vector<1x128xf32> to vector<256x128xf32>
    %add3A_184 = arith.addf %mul3A_182, %add3A_183 : vector<256x128xf32>
    %swap3A = arith.constant 0 : index
    %swap3A_185 = arith.constant 0 : index
    %swap3A_186 = vector.load %arg8[%swap3A, %swap3A_185] : memref<1536x256xf32, #tpu.memory_space<vmem>>, vector<512x128xf32>
    tpu.vector_store %arg8[%swap3A, %swap3A_185], %add3A_107 {strides = array<i32>} : memref<1536x256xf32, #tpu.memory_space<vmem>>, vector<512x128xf32>,
    %broadcast_in_dim3A_187 = vector.shape_cast %add3A : vector<1x128xf32> to vector<1x128xf32>
    %broadcast_in_dim3A_188 = vector.broadcast %broadcast_in_dim3A_187 : vector<1x128xf32> to vector<512x128xf32>
    %swap3A_189 = arith.constant 0 : index
    %swap3A_190 = arith.constant 128 : index
    %swap3A_191 = vector.load %arg8[%swap3A_189, %swap3A_190] : memref<1536x256xf32, #tpu.memory_space<vmem>>, vector<512x128xf32>
    tpu.vector_store %arg8[%swap3A_189, %swap3A_190], %broadcast_in_dim3A_188 {strides = array<i32>} : memref<1536x256xf32, #tpu.memory_space<vmem>>, vector<512x128xf32>,
    %swap3A_192 = arith.constant 512 : index
    %swap3A_193 = arith.constant 0 : index
    %swap3A_194 = vector.load %arg8[%swap3A_192, %swap3A_193] : memref<1536x256xf32, #tpu.memory_space<vmem>>, vector<256x128xf32>
    tpu.vector_store %arg8[%swap3A_192, %swap3A_193], %add3A_114 {strides = array<i32>} : memref<1536x256xf32, #tpu.memory_space<vmem>>, vector<256x128xf32>,
    %broadcast_in_dim3A_195 = vector.shape_cast %add3A_47 : vector<1x128xf32> to vector<1x128xf32>
    %broadcast_in_dim3A_196 = vector.broadcast %broadcast_in_dim3A_195 : vector<1x128xf32> to vector<256x128xf32>
    %swap3A_197 = arith.constant 512 : index
    %swap3A_198 = arith.constant 128 : index
    %swap3A_199 = vector.load %arg8[%swap3A_197, %swap3A_198] : memref<1536x256xf32, #tpu.memory_space<vmem>>, vector<256x128xf32>
    tpu.vector_store %arg8[%swap3A_197, %swap3A_198], %broadcast_in_dim3A_196 {strides = array<i32>} : memref<1536x256xf32, #tpu.memory_space<vmem>>, vector<256x128xf32>,
    %swap3A_200 = arith.constant 768 : index
    %swap3A_201 = arith.constant 0 : index
    %swap3A_202 = vector.load %arg8[%swap3A_200, %swap3A_201] : memref<1536x256xf32, #tpu.memory_space<vmem>>, vector<512x128xf32>
    tpu.vector_store %arg8[%swap3A_200, %swap3A_201], %add3A_177 {strides = array<i32>} : memref<1536x256xf32, #tpu.memory_space<vmem>>, vector<512x128xf32>,
    %broadcast_in_dim3A_203 = vector.shape_cast %add3A_38 : vector<1x128xf32> to vector<1x128xf32>
    %broadcast_in_dim3A_204 = vector.broadcast %broadcast_in_dim3A_203 : vector<1x128xf32> to vector<512x128xf32>
    %swap3A_205 = arith.constant 768 : index
    %swap3A_206 = arith.constant 128 : index
    %swap3A_207 = vector.load %arg8[%swap3A_205, %swap3A_206] : memref<1536x256xf32, #tpu.memory_space<vmem>>, vector<512x128xf32>
    tpu.vector_store %arg8[%swap3A_205, %swap3A_206], %broadcast_in_dim3A_204 {strides = array<i32>} : memref<1536x256xf32, #tpu.memory_space<vmem>>, vector<512x128xf32>,
    %swap3A_208 = arith.constant 1280 : index
    %swap3A_209 = arith.constant 0 : index
    %swap3A_210 = vector.load %arg8[%swap3A_208, %swap3A_209] : memref<1536x256xf32, #tpu.memory_space<vmem>>, vector<256x128xf32>
    tpu.vector_store %arg8[%swap3A_208, %swap3A_209], %add3A_184 {strides = array<i32>} : memref<1536x256xf32, #tpu.memory_space<vmem>>, vector<256x128xf32>,
    %broadcast_in_dim3A_211 = vector.shape_cast %add3A_47 : vector<1x128xf32> to vector<1x128xf32>
    %broadcast_in_dim3A_212 = vector.broadcast %broadcast_in_dim3A_211 : vector<1x128xf32> to vector<256x128xf32>
    %swap3A_213 = arith.constant 1280 : index
    %swap3A_214 = arith.constant 128 : index
    %swap3A_215 = vector.load %arg8[%swap3A_213, %swap3A_214] : memref<1536x256xf32, #tpu.memory_space<vmem>>, vector<256x128xf32>
    tpu.vector_store %arg8[%swap3A_213, %swap3A_214], %broadcast_in_dim3A_212 {strides = array<i32>} : memref<1536x256xf32, #tpu.memory_space<vmem>>, vector<256x128xf32>,
    return
  }
}

</mosaic_0001>

<sc_bundles>
// kernel: kernel.4.cloned.1.call-start
scs
__scs_entry_jumppad:
0x0: {  	(pc) =	sbr.rel $0x88, $3  }
0x1: {  	(tag) =	ssettag $0x0;
	lr =	simm.s32 $0x1  }
0x2: {  	[smem:$0x3F94] =	sst lr;
	_ =	strace $0xD0000000  }
0x3: {  	_ = 	snop  }
0x4: {  	_ = 	snop  }
0x5: {  	_ = 	snop  }
0x6: {  	_ = 	snop  }
0x7: {  	_ = 	snop  }
__scs_overlays_trampoline_lowered:
0x8: {  	[smem:$0x3FA3] =	sst s0  }
0x9: {  	[smem:$0x3FA4] =	sst s1  }
0xa: {  	[smem:$0x3FA5] =	sst s2  }
0xb: {  	[smem:$0x3FA6] =	sst s3  }
0xc: {  	[smem:$0x3FA7] =	sst s4  }
0xd: {  	[smem:$0x3FA8] =	sst s5  }
0xe: {  	[smem:$0x3FA9] =	sst s6  }
0xf: {  	[smem:$0x3FAA] =	sst s7  }
0x10: {  	[smem:$0x3FAB] =	sst s8  }
0x11: {  	[smem:$0x3FAC] =	sst s9;
	s0 =	simm.s32 @!p0 $0x0  }
0x12: {  	s1 =	sld [smem:$0x3F92];
	s0 =	simm.s32 @p0 $0x1  }
0x13: {  	[smem:$0x3FAD] =	sst s0;
	s0 =	simm.s32 @!p1 $0x0  }
0x14: {  	s2 =	sld [smem:$0x3F91];
	s0 =	simm.s32 @p1 $0x1  }
0x15: {  	[smem:$0x3FAE] =	sst s0;
	s0 =	simm.s32 @!p2 $0x0  }
0x16: {  	s3 =	sld [smem:$0x3FDB];
	s0 =	simm.s32 @p2 $0x1  }
0x17: {  	s4 =	simm.s32 $0x1BF5;
	[smem:$0x3FB0] =	sst s0  }
0x18: {  	s0 =	sld [smem:$0x3F93];
	_ =	swait.ge [sflag:s4], $0x0  }
0x19: {  	s7 =	sld [smem:$0x3F94]  }
0x1a: {  	s8 =	sadd.s32 $0xFFFFE003, lr  }
0x1b: {  	s9 =	sadd.s32 $0xFFFFFEF7, lr;
	s5 =	simm.s32 $0xFFFFFFFF;
	p2 =	slt.u32 s8, $0xFFFFF086  }
0x1c: {  	p1 =	slt.u32 s9, $0xF7A;
	s5 =	simm.s32 @!p2 $0x0  }
0x1d: {  	s5 =	simm.s32 @p1 $0x1;
	p0 =	seq.s32 s7, s2  }
0x1e: {  	s7 =	smul.u32 @!p0 $0xF7A, s2;
	p2 =	seq.s32 @!p0 s5, $0x0  }
0x1f: {  	s9 =	smul.u32 $0xF7A, s1;
	s8 =	simm.s32 @!p0 $0x1BF5;
	p2 =	por !p2, p0  }
0x20: {  	[sflag:s8] =	ssyncset.s32 @!p0 $0xFFFFF086;
	s6 =	sadd.s32 @!p0 s3, s7;
	s7 =	simm.s32 @!p0 $0x108  }
0x21: {  	s3 =	sadd.s32 s3, s9;
	s6 =	sadd.s32 @!p0 $0x88, s6;
	s7 =	simm.s32 @p2 $0x1082  }
0x22: {  	[simem:s7], [sflag:s8] =	dma.local @!p0 [hbm:s6], $0xF7A  }
0x23: {  	s9 =	sor.u32 $0xD0000000, s2;
	s6 =	simm.s32 $0x108;
	_ =	swait.ge @!p0 [sflag:s8], $0x0  }
0x24: {  	s3 =	sadd.s32 $0x88, s3;
	s6 =	simm.s32 @!p1 $0x1082;
	[sflag:s4] =	ssyncset.s32 $0xFFFFF086  }
0x25: {  	[simem:s6], [sflag:s4] =	dma.local [hbm:s3], $0xF7A  }
0x26: {  	[smem:$0x3F94] =	sst s1;
	(tag) =	ssettag s2;
	_ =	strace s9  }
0x27: {  	s1 =	sld [smem:$0x3FA4]  }
0x28: {  	s2 =	sld [smem:$0x3FA5]  }
0x29: {  	s4 =	sld [smem:$0x3FA7]  }
0x2a: {  	p0 =	seq.s32 s5, $0x0;
	s5 =	sld [smem:$0x3FA8]  }
0x2b: {  	s6 =	sld [smem:$0x3FA9]  }
0x2c: {  	s7 =	sld [smem:$0x3FAA]  }
0x2d: {  	s3 =	simm.s32 $0x108;
	s8 =	sld [smem:$0x3FAB]  }
0x2e: {  	s3 =	simm.s32 @!p0 $0x1082;
	s9 =	sld [smem:$0x3FAC]  }
0x2f: {  	lr =	sadd.s32 s0, s3;
	s0 =	sld [smem:$0x3FA3]  }
0x30: {  	s3 =	sld [smem:$0x3FA6]  }
0x31: {  	[smem:$0x3FAF] =	sst s10  }
0x32: {  	s10 =	sld [smem:$0x3FAD];
	_ =	sdelay $0x3  }
0x33: {  	p0 =	seq.s32 s10, $0x1;
	s10 =	sld [smem:$0x3FAF];
	_ =	sdelay $0x3  }
0x34: {  	[smem:$0x3FAF] =	sst s10  }
0x35: {  	s10 =	sld [smem:$0x3FAE];
	_ =	sdelay $0x3  }
0x36: {  	p1 =	seq.s32 s10, $0x1;
	s10 =	sld [smem:$0x3FAF];
	_ =	sdelay $0x3  }
0x37: {  	[smem:$0x3FAF] =	sst s10  }
0x38: {  	s10 =	sld [smem:$0x3FB0]  }
0x39: {  	_ = 	snop;
	(pc) =	sbr.ind lr, $3  }
0x3a: {  	_ = 	snop  }
0x3b: {  	_ = 	snop  }
0x3c: {  	p2 =	seq.s32 s10, $0x1;
	s10 =	sld [smem:$0x3FAF]  }
0x3d: {  	_ =	shalt  }
0x3e: {  	_ =	shalt  }
0x3f: {  	_ =	shalt  }
0x40: {  	_ =	shalt  }
0x41: {  	_ =	shalt  }
0x42: {  	_ =	shalt  }
0x43: {  	_ =	shalt  }
0x44: {  	_ =	shalt  }
0x45: {  	_ =	shalt  }
0x46: {  	_ =	shalt  }
0x47: {  	_ =	shalt  }
0x48: {  	_ =	shalt  }
0x49: {  	_ =	shalt  }
0x4a: {  	_ =	shalt  }
0x4b: {  	_ =	shalt  }
0x4c: {  	_ =	shalt  }
0x4d: {  	_ =	shalt  }
0x4e: {  	_ =	shalt  }
0x4f: {  	_ =	shalt  }
0x50: {  	_ =	shalt  }
0x51: {  	_ =	shalt  }
0x52: {  	_ =	shalt  }
0x53: {  	_ =	shalt  }
0x54: {  	_ =	shalt  }
0x55: {  	_ =	shalt  }
0x56: {  	_ =	shalt  }
0x57: {  	_ =	shalt  }
0x58: {  	_ =	shalt  }
0x59: {  	_ =	shalt  }
0x5a: {  	_ =	shalt  }
0x5b: {  	_ =	shalt  }
0x5c: {  	_ =	shalt  }
0x5d: {  	_ =	shalt  }
0x5e: {  	_ =	shalt  }
0x5f: {  	_ =	shalt  }
0x60: {  	_ =	shalt  }
0x61: {  	_ =	shalt  }
0x62: {  	_ =	shalt  }
0x63: {  	_ =	shalt  }
0x64: {  	_ =	shalt  }
0x65: {  	_ =	shalt  }
0x66: {  	_ =	shalt  }
0x67: {  	_ =	shalt  }
0x68: {  	_ =	shalt  }
0x69: {  	_ =	shalt  }
0x6a: {  	_ =	shalt  }
0x6b: {  	_ =	shalt  }
0x6c: {  	_ =	shalt  }
0x6d: {  	_ =	shalt  }
0x6e: {  	_ =	shalt  }
0x6f: {  	_ =	shalt  }
0x70: {  	_ =	shalt  }
0x71: {  	_ =	shalt  }
0x72: {  	_ =	shalt  }
0x73: {  	_ =	shalt  }
0x74: {  	_ =	shalt  }
0x75: {  	_ =	shalt  }
0x76: {  	_ =	shalt  }
0x77: {  	_ =	shalt  }
0x78: {  	_ =	shalt  }
0x79: {  	_ =	shalt  }
0x7a: {  	_ =	shalt  }
0x7b: {  	_ =	shalt  }
0x7c: {  	_ =	shalt  }
0x7d: {  	_ =	shalt  }
0x7e: {  	_ =	shalt  }
0x7f: {  	_ =	shalt  }
0x80: {  	_ =	shalt  }
0x81: {  	_ =	shalt  }
0x82: {  	_ =	shalt  }
0x83: {  	_ =	shalt  }
0x84: {  	_ =	shalt  }
0x85: {  	_ =	shalt  }
0x86: {  	_ =	shalt  }
0x87: {  	_ =	shalt  }
.Lfunc_end0:
.L_simem_size_0:
called_computation_lowered:
.L_overlay_start_0:
0x88: {  	s2 =	sld [smem:$0x3FD9]  }
0x89: {  	s3 =	sld [smem:$0x3FFE];
	_ =	sdelay $0x1  }
0x8a: {  	s1 =	srdreg.scid  }
0x8b: {  	s0 =	sand.u32 $0x1, s1  }
0x8c: {  	s18 =	sshll.u32 s0, $0xA;
	s2 =	sadd.s32 s3, s2  }
0x8d: {  	s2 =	sadd.s32 s2, s18  }
0x8e: {  	[smem:$0x3FBB] =	sst s2  }
0x8f: {  	_ = 	snop  }
0x90: {  	s2 =	sld [smem:$0x3FC9]  }
0x91: {  	s19 =	sld [smem:$0x3FC8]  }
0x92: {  	s4 =	sld [smem:$0x3FC7]  }
0x93: {  	s5 =	sld [smem:$0x3FC6]  }
0x94: {  	s6 =	sld [smem:$0x3FC5]  }
0x95: {  	s7 =	sld [smem:$0x3FC4]  }
0x96: {  	s8 =	sld [smem:$0x3FD0];
	(tm) =	ssettm $0x1  }
0x97: {  	s9 =	sld [smem:$0x3FFB];
	_ =	sdelay $0x3  }
0x98: {  	_ =	strace s9  }
0x99: {  	s9 =	sld [smem:$0x3FFC];
	_ =	sdelay $0x3  }
0x9a: {  	_ =	strace s9  }
0x9b: {  	s9 =	sld [smem:$0x3FFD];
	_ =	sdelay $0x3  }
0x9c: {  	_ =	strace s9  }
0x9d: {  	_ =	strace $0x8FFFFFFF  }
0x9e: {  	s20 =	sld [smem:$0x3FDB];
	_ =	sdelay $0x1  }
0x9f: {  	s10 =	simm.s32 $_scs_section_size  }
0xa0: {  	s11 =	simm.s32 $_size__tile_overlayer_lowered;
	s12 =	simm.s32 $_tile_overlayer_lowered  }
0xa1: {  	s23 =	simm.s32 $0x1BFF;
	s22 =	sshll.u32 s12, $0x1;
	s9 =	sadd.s32 s10, s20  }
0xa2: {  	s13 =	simm.s32 $0x0;
	s21 =	sshll.u32 s11, $0x1;
	s11 =	sadd.s32 s22, s9  }
0xa3: {  	[timem:s13], [sflag:s23] =	dma.local [hbm:s11], s21  }
0xa4: {  	_ =	swait.ge [sflag:s23], s21  }
0xa5: {  	s10 =	ssub.s32 $0x0, s21;
	[sflag:s23] =	ssyncset.done $0x0  }
0xa6: {  	[sflag:s23] =	ssyncadd.s32 s10;
	_ =	sdelay $0x1  }
0xa7: {  	s24 =	simm.s32 $0x1B8B  }
0xa8: {  	_ =	swait.ge [sflag:s24], $0x1  }
0xa9: {  	[sflag:s24] =	ssyncset.done $0x0  }
0xaa: {  	s25 =	simm.s32 $0x1B8E;
	[sflag:s24] =	ssyncadd.s32 $0xFFFFFFFF  }
0xab: {  	s26 =	simm.s32 $execute0_lowered;
	[smem:$0x3FD2] =	sst s25  }
0xac: {  	s10 =	sshll.u32 s26, $0x1;
	_ =	strace $0x80000046;
	[dreg:$0x1] =	wrdreg $0xFFFFFFFF  }
0xad: {  	s28 =	simm.s32 $_size_execute0_lowered;
	s9 =	sadd.s32 s9, s10;
	[dreg:$0x0] =	wrdreg $0x0  }
0xae: {  	s10 =	sshll.u32 s28, $0x1;
	[dreg:$0x2] =	wrdreg s9  }
0xaf: {  	[dreg:$0x3] =	wrdreg s10  }
0xb0: {  	[dreg:$0x4] =	wrdreg $0xC0  }
0xb1: {  	_ =	task [dreg:s13], $0x5FFFF  }
0xb2: {  	[dreg:$0x1] =	wrdreg $0xFFFFFFFF  }
0xb3: {  	[dreg:$0x0] =	wrdreg $0x60  }
0xb4: {  	[dreg:$0x2] =	wrdreg s5  }
0xb5: {  	[dreg:$0x3] =	wrdreg s6  }
0xb6: {  	[dreg:$0x4] =	wrdreg s7  }
0xb7: {  	[dreg:$0x5] =	wrdreg s2  }
0xb8: {  	[dreg:$0x6] =	wrdreg s19  }
0xb9: {  	[dreg:$0x7] =	wrdreg s4  }
0xba: {  	[dreg:$0x8] =	wrdreg s8  }
0xbb: {  	[dreg:$0x9] =	wrdreg $0x9  }
0xbc: {  	_ =	task.clear_ibuf [dreg:s13], $0xAFFFF;
	_ =	strace $0x90000046  }
0xbd: {  	s29 =	simm.s32 $0x9;
	_ =	strace $0x80000048  }
0xbe: {  	_ =	swait.ge [sflag:s29], $0x1  }
0xbf: {  	[sflag:s29] =	ssyncadd.s32 $0xFFFFFFFF  }
0xc0: {  	_ =	strace $0x90000048  }
0xc1: {  	_ =	sfence  }
0xc2: {  	s30 =	sld [smem:$0x0];
	_ =	sdelay $0x2  }
0xc3: {  	s31 =	sshll.u32 s1, $0xD;
	s1 =	sshrl.u32 s1, $0x2  }
0xc4: {  	s3 =	sand.u32 $0x4000, s31;
	s1 =	sadd.s32 s1, s30  }
0xc5: {  	s0 =	sor.u32 s3, s0;
	s1 =	sshll.u32 s1, $0x11  }
0xc6: {  	s0 =	sor.u32 s1, s0  }
0xc7: {  	s0 =	sadd.s32 $0x8F2B, s0  }
0xc8: {  	[sflag:s0] =	ssyncadd.remote.s32 $0x1  }
0xc9: {  	_ =	sfence.sel $0xFFFF  }
0xca: {  	[dreg:$0x0] =	wrdreg $0xFFFFFFFF;
	(pc) =	sbr.abs _section_cstart, $3  }
0xcb: {  	[dreg:$0x1] =	wrdreg $0xFFFFFFFF  }
0xcc: {  	_ =	task.clear_ibuf [dreg:s13], $0x2FFFF;
	_ =	strace $0x9FFFFFFF  }
0xcd: {  	(tm) =	ssettm $0x7FFFFFFF  }
tec
execute0_lowered:
.L_overlay_start_1:
0x0: {  	(tag) =	ssettag $0x1  }
0x1: {  	s0 =	rddreg [dreg:$0x0]  }
0x2: {  	s1 =	rddreg [dreg:$0x1]  }
0x3: {  	s3 =	rddreg [dreg:$0x2]  }
0x4: {  	s6 =	rddreg [dreg:$0x3]  }
0x5: {  	s7 =	rddreg [dreg:$0x4]  }
0x6: {  	s4 =	srdreg.scid;
	s2 =	stileid.u32  }
0x7: {  	s9 =	rddreg [dreg:$0x5];
	s22 =	sand.u32 $0x1, s4;
	s8 =	sshll.u32 s2, $0x1  }
0x8: {  	s21 =	rddreg [dreg:$0x6];
	s5 =	simm.s32 $0x0;
	s23 =	sor.u32 s22, s8  }
0x9: {  	[smem:$0x7FF] =	sst s5;
	s8 =	sshll.u32 s23, $0x1  }
0xa: {  	s4 =	rddreg [dreg:$0x7];
	_ =	strace $0x80000047;
	s6 =	sadd.s32 s6, s8  }
0xb: {  	[tilespmem:s5], [sflag:$0x1] =	stream.linear.gather [hbm4b:s6+s5], $0x10, $0x38;
	[tilespmem:$0x1580] =	vst v63  }
0xc: {  	s7 =	sadd.s32 s7, s8;
	s8 =	simm.s32 $0x80  }
0xd: {  	[tilespmem:s8], [sflag:$0x2] =	stream.linear.gather [hbm4b:s7+s5], $0x10, $0x38;
	[tilespmem:$0x1580] =	vst v63  }
0xe: {  	s10 =	simm.s32 $0x100;
	s11 =	simm.s32 $0x1;
	s9 =	sadd.s32 s9, s23  }
0xf: {  	[tilespmem:s10], [sflag:$0x3] =	stream.linear.gather [hbm4b:s9+s5], $0x8, $0x38;
	[tilespmem:$0x1580] =	vst v63  }
0x10: {  	_ =	swait.ge [sflag:s11], $0x10  }
0x11: {  	s12 =	simm.s32 $0x10;
	[sflag:s11] =	ssyncset.done $0x0  }
0x12: {  	s13 =	simm.s32 $0x180;
	s14 =	simm.s32 $0x2;
	[sflag:s11] =	ssyncadd.s32 $0xFFFFFFF0  }
0x13: {  	[tilespmem:s13], [sflag:$0x1] =	stream.indirect.gather [hbm4b:s0+s12], $0x80, s5, s12, $0xb8;
	[tilespmem:$0x1580] =	vst v63  }
0x14: {  	_ =	swait.ge [sflag:s14], $0x10  }
0x15: {  	[sflag:s14] =	ssyncset.done $0x0  }
0x16: {  	s16 =	simm.s32 $0x980;
	s15 =	simm.s32 $0x3;
	[sflag:s14] =	ssyncadd.s32 $0xFFFFFFF0  }
0x17: {  	[tilespmem:s16], [sflag:$0x2] =	stream.indirect.gather [hbm4b:s1+s12], $0x80, s8, s12, $0xb8;
	[tilespmem:$0x1580] =	vst v63  }
0x18: {  	_ =	swait.ge [sflag:s15], $0x8  }
0x19: {  	[sflag:s15] =	ssyncset.done $0x0  }
0x1a: {  	s17 =	simm.s32 $0x8;
	s18 =	simm.s32 $0x1180;
	[sflag:s15] =	ssyncadd.s32 $0xFFFFFFF8  }
0x1b: {  	[tilespmem:s18], [sflag:$0x3] =	stream.indirect.gather [hbm4b:s3+s17], $0x80, s10, s17, $0xb8;
	[tilespmem:$0x1580] =	vst v63  }
0x1c: {  	_ =	swait.ge [sflag:s11], $0x800  }
0x1d: {  	s19 =	sshll.u32 s23, $0x8;
	[sflag:s11] =	ssyncset.done $0x0  }
0x1e: {  	s19 =	sadd.s32 s21, s19;
	[sflag:s11] =	ssyncadd.s32 $0xFFFFF800  }
0x1f: {  	[hbm4b:s19+s5] =	stream.linear.scatter [tilespmem:s13], [sflag:$0x1], $0x800, $0x38;
	[tilespmem:$0x1580] =	vst v63  }
0x20: {  	_ =	swait.ge [sflag:s14], $0x800  }
0x21: {  	[sflag:s14] =	ssyncset.done $0x0  }
0x22: {  	s20 =	sadd.s32 $0x2000, s19;
	[sflag:s14] =	ssyncadd.s32 $0xFFFFF800  }
0x23: {  	[hbm4b:s20+s5] =	stream.linear.scatter [tilespmem:s16], [sflag:$0x2], $0x800, $0x38;
	[tilespmem:$0x1580] =	vst v63  }
0x24: {  	s23 =	sshll.u32 s23, $0x7;
	_ =	swait.ge [sflag:s15], $0x400  }
0x25: {  	s22 =	ssub.s32 $0x2, s22;
	s21 =	sadd.s32 s23, s21;
	[sflag:s15] =	ssyncset.done $0x0  }
0x26: {  	s31 =	sshrl.u32 s22, $0x1;
	s21 =	sadd.s32 $0x4000, s21;
	[sflag:s15] =	ssyncadd.s32 $0xFFFFFC00  }
0x27: {  	[hbm4b:s21+s5] =	stream.linear.scatter [tilespmem:s18], [sflag:$0x3], $0x400, $0x38;
	[tilespmem:$0x1580] =	vst v63  }
0x28: {  	s22 =	ssub.s32 s22, s31;
	_ =	swait.ge [sflag:s11], $0x800  }
0x29: {  	s22 =	smax.u32 s22, $0x1;
	[sflag:s11] =	ssyncset.done $0x0  }
0x2a: {  	p0 =	sne.s32 s22, $0x1;
	[sflag:s11] =	ssyncadd.s32 $0xFFFFF800  }
.Ltmp0:
0x2b: {  	_ =	swait.ge [sflag:s14], $0x800;
	(pc) =	sbr.rel @!p0 .LBB2_2-.Ltmp0, $4  }
0x2c: {  	[sflag:s14] =	ssyncset.done $0x0  }
0x2d: {  	[sflag:s14] =	ssyncadd.s32 $0xFFFFF800  }
0x2e: {  	_ =	swait.ge [sflag:s15], $0x400  }
0x2f: {  	s22 =	sadd.s32 $0xFFFFFFFF, s22;
	[sflag:s15] =	ssyncset.done $0x0  }
.LBB2_1:
0x30: {  	p0 =	sne.s32 s22, $0x1;
	s22 =	sadd.s32 $0xFFFFFFFF, s22;
	[sflag:s15] =	ssyncadd.s32 $0xFFFFFC00  }
0x31: {  	[tilespmem:s5], [sflag:$0x1] =	stream.linear.gather [hbm4b:s6+s5], $0x10, $0x38;
	[tilespmem:$0x1580] =	vst v63  }
0x32: {  	_ = 	snop  }
0x33: {  	[tilespmem:s8], [sflag:$0x2] =	stream.linear.gather [hbm4b:s7+s5], $0x10, $0x38;
	[tilespmem:$0x1580] =	vst v63  }
0x34: {  	_ = 	snop  }
0x35: {  	[tilespmem:s10], [sflag:$0x3] =	stream.linear.gather [hbm4b:s9+s5], $0x8, $0x38;
	[tilespmem:$0x1580] =	vst v63  }
0x36: {  	_ =	swait.ge [sflag:s11], $0x10  }
0x37: {  	[sflag:s11] =	ssyncset.done $0x0  }
0x38: {  	[sflag:s11] =	ssyncadd.s32 $0xFFFFFFF0  }
0x39: {  	[tilespmem:s13], [sflag:$0x1] =	stream.indirect.gather [hbm4b:s0+s12], $0x80, s5, s12, $0xb8;
	[tilespmem:$0x1580] =	vst v63  }
0x3a: {  	_ =	swait.ge [sflag:s14], $0x10  }
0x3b: {  	[sflag:s14] =	ssyncset.done $0x0  }
0x3c: {  	[sflag:s14] =	ssyncadd.s32 $0xFFFFFFF0  }
0x3d: {  	[tilespmem:s16], [sflag:$0x2] =	stream.indirect.gather [hbm4b:s1+s12], $0x80, s8, s12, $0xb8;
	[tilespmem:$0x1580] =	vst v63  }
0x3e: {  	_ =	swait.ge [sflag:s15], $0x8  }
0x3f: {  	[sflag:s15] =	ssyncset.done $0x0  }
0x40: {  	[sflag:s15] =	ssyncadd.s32 $0xFFFFFFF8  }
0x41: {  	[tilespmem:s18], [sflag:$0x3] =	stream.indirect.gather [hbm4b:s3+s17], $0x80, s10, s17, $0xb8;
	[tilespmem:$0x1580] =	vst v63  }
0x42: {  	_ =	swait.ge [sflag:s11], $0x800  }
0x43: {  	[sflag:s11] =	ssyncset.done $0x0  }
0x44: {  	[sflag:s11] =	ssyncadd.s32 $0xFFFFF800  }
0x45: {  	[hbm4b:s19+s5] =	stream.linear.scatter [tilespmem:s13], [sflag:$0x1], $0x800, $0x38;
	[tilespmem:$0x1580] =	vst v63  }
0x46: {  	_ =	swait.ge [sflag:s14], $0x800  }
0x47: {  	[sflag:s14] =	ssyncset.done $0x0  }
0x48: {  	[sflag:s14] =	ssyncadd.s32 $0xFFFFF800  }
0x49: {  	[hbm4b:s20+s5] =	stream.linear.scatter [tilespmem:s16], [sflag:$0x2], $0x800, $0x38;
	[tilespmem:$0x1580] =	vst v63  }
0x4a: {  	_ =	swait.ge [sflag:s15], $0x400  }
0x4b: {  	[sflag:s15] =	ssyncset.done $0x0  }
0x4c: {  	[sflag:s15] =	ssyncadd.s32 $0xFFFFFC00  }
0x4d: {  	[hbm4b:s21+s5] =	stream.linear.scatter [tilespmem:s18], [sflag:$0x3], $0x400, $0x38;
	[tilespmem:$0x1580] =	vst v63  }
0x4e: {  	_ =	swait.ge [sflag:s11], $0x800  }
0x4f: {  	[sflag:s11] =	ssyncset.done $0x0  }
0x50: {  	[sflag:s11] =	ssyncadd.s32 $0xFFFFF800  }
.Ltmp1:
0x51: {  	_ =	swait.ge [sflag:s14], $0x800;
	(pc) =	sbr.rel @p0 .LBB2_1-.Ltmp1, $4  }
0x52: {  	[sflag:s14] =	ssyncset.done $0x0  }
0x53: {  	[sflag:s14] =	ssyncadd.s32 $0xFFFFF800  }
0x54: {  	_ =	swait.ge [sflag:s15], $0x400  }
0x55: {  	[sflag:s15] =	ssyncset.done $0x0  }
.LBB2_2:
0x56: {  	[sflag:s15] =	ssyncadd.s32 $0xFFFFFC00  }
0x57: {  	_ =	sfence.sel $0x180000  }
0x58: {  	[bflag:$0x0] =	sbarrier.arrive $0xFFFF  }
0x59: {  	p0 =	sne.s32 s2, $0x0;
	_ =	strace $0x90000047  }
0x5a: {  	s0 =	sadd.s32 @!p0 $0x100000, s4;
	[bflag:$0x2] =	sbarrier.arrive $0xFFFF  }
0x5b: {  	[sflag:s0] =	ssyncadd.tile.s32 @!p0 $0x1;
	_ =	shalt  }
.Lfunc_end2:
_tile_overlayer_lowered:
.L_overlay_start_2:
0x5c: {  	(tag) =	ssettag $0x2  }
0x5d: {  	s0 =	rddreg [dreg:$0x0];
	s2 =	stileid.u32  }
0x5e: {  	s1 =	rddreg [dreg:$0x1];
	p0 =	sne.s32 s2, $0x0  }
0x5f: {  	s3 =	rddreg [dreg:$0x2];
	[bflag:$0x3] =	sbarrier.arrive $0xFFFF;
	s2 =	simm.s32 @!p0 $0x1C04  }
0x60: {  	[timem:s3], [sflag:s2] =	dma.local @!p0 [hbm:s0], s1  }
0x61: {  	s0 =	simm.s32 @!p0 $0x4  }
0x62: {  	_ =	swait.ge @!p0 [sflag:s0], s1  }
0x63: {  	s1 =	ssub.s32 @!p0 $0x0, s1;
	[sflag:s0] =	ssyncset.done @!p0 $0x0  }
0x64: {  	[sflag:s0] =	ssyncadd.s32 @!p0 s1  }
0x65: {  	[bflag:$0x3] =	sbarrier.arrive $0xFFFF  }
0x66: {  	_ =	shalt  }

</sc_bundles>
